<compile_context>
chip_gen: v7x
topology: tpu7x:2x2x1
jax: 0.10.2.dev20260603
libtpu: 0.0.44.dev20260713+nightly
codegen_flags: <defaults>
</compile_context>

<pallas_src>
import functools

import jax
import jax.numpy as jnp
import numpy as np
from jax import lax
from jax.experimental import pallas as pl
from jax.experimental.pallas import tpu as pltpu
from jax.experimental.pallas import tpu_sc as plsc

_N, _E, _D = 10000, 2000, 128
_TE = 200
_NE = _E // _TE
_TN = 1000
_NN = _N // _TN
_BF = jnp.bfloat16
_F32 = jnp.float32

_SC_NC, _SC_NS = 2, 16
_NW = _SC_NC * _SC_NS
_EPAD = 2048
_BPW = _EPAD // _NW


def _sc_root_gather(table, idx):
    mesh = plsc.VectorSubcoreMesh(core_axis_name="c", subcore_axis_name="s")

    @functools.partial(
        pl.kernel,
        mesh=mesh,
        out_type=jax.ShapeDtypeStruct((_EPAD, _D), jnp.float32),
        scratch_types=[
            pltpu.VMEM((_BPW,), jnp.int32),
            pltpu.VMEM((_BPW, _D), jnp.float32),
            pltpu.SemaphoreType.DMA,
        ],
    )
    def k(table_hbm, idx_hbm, out_hbm, idx_v, rows_v, sem):
        wid = lax.axis_index("s") * _SC_NC + lax.axis_index("c")
        base = wid * _BPW
        pltpu.sync_copy(idx_hbm.at[pl.ds(base, _BPW)], idx_v)
        pltpu.async_copy(table_hbm.at[idx_v], rows_v, sem).wait()
        pltpu.sync_copy(rows_v, out_hbm.at[pl.ds(base, _BPW)])

    return k(table, idx)


def _nn(a, b):
    return lax.dot_general(a, b, (((1,), (0,)), ((), ())),
                           preferred_element_type=_F32)


def _tn(a, b):
    return lax.dot_general(a, b, (((0,), (0,)), ((), ())),
                           preferred_element_type=_F32)


def _nt(a, b):
    return lax.dot_general(a, b, (((1,), (1,)), ((), ())),
                           preferred_element_type=_F32)


def _tc_body(adjT_ref, xf_ref, xb_ref, root_ref, W2_ref, W3_ref,
             bns_ref, bnb_ref, fw1_ref, fb1_ref, fw2_ref, fb2_ref,
             eout_ref, xout_ref,
             xbf_s, x4a_s, nacc_s, rsum_s, rsumT_s):
    i = pl.program_id(0)

    @pl.when(i < _NE)
    def _main():
        @pl.when(i == 0)
        def _init():
            xf = xf_ref[...]
            xbf_s[...] = xf.astype(_BF)
            x4a_s[...] = _nn(xf, W2_ref[...])
            nacc_s[...] = jnp.zeros_like(nacc_s)
            rsum_s[...] = jnp.zeros_like(rsum_s)

        adjT = adjT_ref[...]
        adjT_b = adjT.astype(_BF)
        x_b = xbf_s[...]
        deg = _nn(adjT_b, jnp.ones((_N, 1), _BF))
        aTx = _nn(adjT_b, x_b)
        edge0 = aTx / (deg + 1e-10) + root_ref[...]
        e4a = _nn(edge0, W3_ref[...])
        attT = _nt(e4a, x4a_s[...])
        pm = (jnp.exp(attT) * adjT).astype(_BF)
        csum = _nn(pm, jnp.ones((_N, 1), _BF))
        er = _nn(pm, x_b) / csum
        e_elu = jnp.where(er > 0, er, jnp.exp(er) - 1.0)
        eout_ref[...] = e_elu * bns_ref[...] + bnb_ref[...]
        er_b = er.astype(_BF)
        nacc_s[...] += _tn(pm, er_b)
        rsum_s[...] += _tn(jnp.ones((_TE, 1), _BF), pm)

    @pl.when(i >= _NE)
    def _epi():
        s = i - _NE

        @pl.when(i == _NE)
        def _trans():
            rsumT_s[...] = jnp.transpose(rsum_s[...])

        x_t = xb_ref[...]
        rs = rsumT_s[pl.ds(s * _TN, _TN), :]
        node = nacc_s[pl.ds(s * _TN, _TN), :] / rs
        node = jnp.where(node > 0, node, jnp.exp(node) - 1.0)
        node = node * bns_ref[...] + bnb_ref[...]
        h0 = jnp.tanh(jnp.dot(x_t, fw1_ref[...]) + fb1_ref[...])
        s0 = jnp.sum(h0 * fw2_ref[...], axis=1, keepdims=True) + fb2_ref[...]
        h1 = jnp.tanh(jnp.dot(node, fw1_ref[...]) + fb1_ref[...])
        s1 = jnp.sum(h1 * fw2_ref[...], axis=1, keepdims=True) + fb2_ref[...]
        mx = jnp.maximum(s0, s1)
        e0 = jnp.exp(s0 - mx)
        e1 = jnp.exp(s1 - mx)
        xout_ref[...] = (e0 * x_t + e1 * node) / (e0 + e1)


_IN_SPECS = [
    pl.BlockSpec((_TE, _N), lambda i: (jnp.minimum(i, _NE - 1), 0)),
    pl.BlockSpec((_N, _D), lambda i: (0, 0)),
    pl.BlockSpec((_TN, _D),
                 lambda i: (jnp.maximum(i - _NE, 0), 0)),
    pl.BlockSpec((_TE, _D), lambda i: (jnp.minimum(i, _NE - 1), 0)),
    pl.BlockSpec((_D, _D), lambda i: (0, 0)),
    pl.BlockSpec((_D, _D), lambda i: (0, 0)),
    pl.BlockSpec((1, _D), lambda i: (0, 0)),
    pl.BlockSpec((1, _D), lambda i: (0, 0)),
    pl.BlockSpec((_D, _D), lambda i: (0, 0)),
    pl.BlockSpec((1, _D), lambda i: (0, 0)),
    pl.BlockSpec((1, _D), lambda i: (0, 0)),
    pl.BlockSpec((1, 1), lambda i: (0, 0)),
]

_OUT_SPECS = [
    pl.BlockSpec((_TE, _D), lambda i: (jnp.minimum(i, _NE - 1), 0)),
    pl.BlockSpec((_TN, _D), lambda i: (jnp.maximum(i - _NE, 0), 0)),
]

_OUT_SHAPE = [
    jax.ShapeDtypeStruct((_E, _D), jnp.float32),
    jax.ShapeDtypeStruct((_N, _D), jnp.float32),
]

_SCRATCH = [
    pltpu.VMEM((_N, _D), _BF),
    pltpu.VMEM((_N, _D), jnp.float32),
    pltpu.VMEM((_N, _D), jnp.float32),
    pltpu.VMEM((1, _N), jnp.float32),
    pltpu.VMEM((_N, 1), jnp.float32),
]


def kernel(x, adj, root_index, W2, W3, bn_gamma, bn_beta, bn_mean, bn_var,
           fw1, fb1, fw2, fb2):
    idx = jnp.concatenate([root_index.astype(jnp.int32),
                           jnp.zeros((_EPAD - _E,), jnp.int32)])
    root_emb = _sc_root_gather(x, idx)

    bn_scale = (bn_gamma * lax.rsqrt(bn_var + 1e-5)).reshape(1, _D)
    bn_shift = (bn_beta - bn_mean * bn_scale[0]).reshape(1, _D)

    adjT = jnp.swapaxes(adj, 0, 1)

    edge_out, x_out = pl.pallas_call(
        _tc_body,
        grid=(_NE + _NN,),
        in_specs=_IN_SPECS,
        out_specs=_OUT_SPECS,
        out_shape=_OUT_SHAPE,
        scratch_shapes=_SCRATCH,
        compiler_params=pltpu.CompilerParams(
            dimension_semantics=("arbitrary",),
            vmem_limit_bytes=64 * 1024 * 1024,
        ),
    )(adjT, x, x, root_emb, W2, W3, bn_scale, bn_shift, fw1,
      fb1.reshape(1, _D), fw2.reshape(1, _D), fb2.reshape(1, 1))
    return x_out, edge_out

# --- scband reference (transcript-rebuilt; emitter-appended) ---
"""Pipeline reference for scband-hgnn-att-8435315769367 (READ-ONLY COPY).

The authoritative reference and input builder live on the scoring server;
editing this copy changes nothing except your own understanding.
"""

import jax, jax.numpy as jnp
import numpy as np

N, E, D = 10000, 2000, 128

def setup_inputs(seed: int = 0):
    key = jax.random.key(seed)
    ks = jax.random.split(key, 8)
    x = jax.random.normal(ks[0], (N, D), dtype=jnp.float32)
    adj = jax.random.randint(ks[1], (N, E), 0, 2).astype(jnp.float32)
    root_index = jax.random.randint(ks[2], (E,), 0, N)
    s = 1.0 / np.sqrt(D)
    W2 = jax.random.uniform(ks[3], (D, D), minval=-s, maxval=s, dtype=jnp.float32)
    W3 = jax.random.uniform(ks[4], (D, D), minval=-s, maxval=s, dtype=jnp.float32)
    bn_gamma = jnp.ones((D,), jnp.float32)
    bn_beta = jnp.zeros((D,), jnp.float32)
    bn_mean = jnp.zeros((D,), jnp.float32)
    bn_var = jnp.ones((D,), jnp.float32)
    fw1 = jax.random.normal(ks[5], (D, D), dtype=jnp.float32) * s
    fb1 = jnp.zeros((D,), jnp.float32)
    fw2 = jax.random.normal(ks[6], (D, 1), dtype=jnp.float32) * s
    fb2 = jnp.zeros((1,), jnp.float32)
    return {"x": x, "adj": adj, "root_index": root_index, "W2": W2, "W3": W3,
            "bn_gamma": bn_gamma, "bn_beta": bn_beta, "bn_mean": bn_mean, "bn_var": bn_var,
            "fw1": fw1, "fb1": fb1, "fw2": fw2, "fb2": fb2}

def _batchnorm(v, gamma, beta, mean, var, eps=1e-5):
    return (v - mean) / jnp.sqrt(var + eps) * gamma + beta

def _hgat_layer(x, adj, root_emb, W2, W3):
    # HGATLayer with transfer=False, concat=True, edge=True (eval mode: dropout=identity)
    x_4att = x @ W2                                   # [N, D]
    deg = adj.sum(axis=0)[:, None]                    # [E, 1]
    edge0 = (adj.T @ x) / (deg + 1e-10) + root_emb    # [E, D] hyperedge emb + root emb
    edge_4att = edge0 @ W3                            # [E, D]
    att = x_4att @ edge_4att.T                        # [N, E]
    att = jnp.where(adj > 0, att, jnp.float32(-9e15))
    att_edge = jax.nn.softmax(att.T, axis=1)          # [E, N] node->edge attention
    edge = att_edge @ x                               # [E, D]
    att_node = jax.nn.softmax(att, axis=1)            # [N, E] edge->node attention
    node = att_node @ edge                            # [N, D]
    return jax.nn.elu(node), jax.nn.elu(edge)

def _fusion(hidden, dy_emb, fw1, fb1, fw2, fb2):
    emb = jnp.stack([hidden, dy_emb], axis=0)         # [2, N, D]
    h = jnp.tanh(emb @ fw1 + fb1)
    score = jax.nn.softmax(h @ fw2 + fb2, axis=0)     # softmax over the 2 branches
    return jnp.sum(score * emb, axis=0)

def reference(x, adj, root_index, W2, W3, bn_gamma, bn_beta, bn_mean, bn_var, fw1, fb1, fw2, fb2):
    root_emb = x[root_index]                          # F.embedding(root_index, x)
    node, edge = _hgat_layer(x, adj, root_emb, W2, W3)
    node = _batchnorm(node, bn_gamma, bn_beta, bn_mean, bn_var)
    edge = _batchnorm(edge, bn_gamma, bn_beta, bn_mean, bn_var)
    x_out = _fusion(x, node, fw1, fb1, fw2, fb2)
    return x_out, edge

if __name__ == "__main__":
    import jax
    _d = setup_inputs()
    print(jax.jit(kernel)(*tuple(_d.values())))

</pallas_src>

<mosaic_0001>
#map = affine_map<(d0, d1) -> (0, 0)>
#map1 = affine_map<(d0, d1) -> (0)>
module attributes {stable_mosaic.version = 14 : i64} {
  func.func @k(%arg0: i32, %arg1: i32, %arg2: memref<10000x128xf32, #tpu.memory_space<hbm>>, %arg3: memref<2048xi32, #tpu.memory_space<hbm>>, %arg4: memref<2048x128xf32, #tpu.memory_space<hbm>>, %arg5: memref<64xi32, #tpu.memory_space<vmem>>, %arg6: memref<64x128xf32, #tpu.memory_space<vmem>>, %arg7: memref<!tpu.dma_semaphore, #tpu.memory_space<semaphore_mem>>) attributes {dimension_semantics = [#tpu.dimension_semantics<core_parallel>, #tpu.dimension_semantics<subcore_parallel>], iteration_bounds = array<i64: 2, 16>, scalar_prefetch = 0 : i64, scratch_operands = 3 : i64, tpu.core_type = #tpu.core_type<sc_vector_subcore>, window_params = [{transform_indices = #map}, {transform_indices = #map1}, {transform_indices = #map}]} {
    %mul3A = arith.constant 2 : i32
    %mul3A_0 = arith.muli %arg1, %mul3A : i32
    %add3A = arith.addi %mul3A_0, %arg0 : i32
    %mul3A_1 = arith.constant 64 : i32
    %mul3A_2 = arith.muli %add3A, %mul3A_1 : i32
    "tpu.region"() ({
      %run_scoped3A = tpu.sem_alloc : memref<!tpu.dma_semaphore, #tpu.memory_space<semaphore_mem>>
      %dma_start3A_7 = tpu.memref_slice %arg3[%mul3A_2] : memref<2048xi32, #tpu.memory_space<hbm>> -> memref<64xi32, #tpu.memory_space<hbm>>
      %dma_start3A_8 = tpu.memref_slice %arg3[%mul3A_2] : memref<2048xi32, #tpu.memory_space<hbm>> -> memref<64xi32, #tpu.memory_space<hbm>>
      tpu.enqueue_dma source(%dma_start3A_8 : memref<64xi32, #tpu.memory_space<hbm>>) target(%arg5 : memref<64xi32, #tpu.memory_space<vmem>>) target_semaphore(%run_scoped3A : memref<!tpu.dma_semaphore, #tpu.memory_space<semaphore_mem>>)
      %dma_wait3A_9 = tpu.memref_slice %arg3[%mul3A_2] : memref<2048xi32, #tpu.memory_space<hbm>> -> memref<64xi32, #tpu.memory_space<hbm>>
      %dma_wait3A_10 = tpu.memref_slice %arg3[%mul3A_2] : memref<2048xi32, #tpu.memory_space<hbm>> -> memref<64xi32, #tpu.memory_space<hbm>>
      tpu.wait_dma2 semaphore(%run_scoped3A : memref<!tpu.dma_semaphore, #tpu.memory_space<semaphore_mem>>) src(%dma_wait3A_10 : memref<64xi32, #tpu.memory_space<hbm>>) dst(%arg5 : memref<64xi32, #tpu.memory_space<vmem>>)
      tpu.yield
    }) : () -> ()
    %dma_start3A = arith.constant 0 : i32
    %dma_start3A_3 = arith.constant 0 : i32
    %dma_start3A_4 = tpu.memref_slice %arg2[%dma_start3A, %dma_start3A_3] : memref<10000x128xf32, #tpu.memory_space<hbm>> -> memref<10000x128xf32, #tpu.memory_space<hbm>>
    tpu.enqueue_indirect_dma source(%dma_start3A_4 : memref<10000x128xf32, #tpu.memory_space<hbm>>) target(%arg6 : memref<64x128xf32, #tpu.memory_space<vmem>>) offsets(%arg5 : memref<64xi32, #tpu.memory_space<vmem>>) semaphore(%arg7 : memref<!tpu.dma_semaphore, #tpu.memory_space<semaphore_mem>>)
    %dma_wait3A = arith.constant 0 : i32
    %dma_wait3A_5 = arith.constant 0 : i32
    %dma_wait3A_6 = tpu.memref_slice %arg2[%dma_wait3A, %dma_wait3A_5] : memref<10000x128xf32, #tpu.memory_space<hbm>> -> memref<10000x128xf32, #tpu.memory_space<hbm>>
    tpu.wait_indirect_dma semaphore(%arg7 : memref<!tpu.dma_semaphore, #tpu.memory_space<semaphore_mem>>) src(%dma_wait3A_6 : memref<10000x128xf32, #tpu.memory_space<hbm>>) dst(%arg6 : memref<64x128xf32, #tpu.memory_space<vmem>>)
    "tpu.region"() ({
      %run_scoped3A = tpu.sem_alloc : memref<!tpu.dma_semaphore, #tpu.memory_space<semaphore_mem>>
      %dma_start3A_7 = arith.constant 0 : i32
      %dma_start3A_8 = tpu.memref_slice %arg4[%mul3A_2, %dma_start3A_7] : memref<2048x128xf32, #tpu.memory_space<hbm>> -> memref<64x128xf32, #tpu.memory_space<hbm>>
      %dma_start3A_9 = arith.constant 0 : i32
      %dma_start3A_10 = tpu.memref_slice %arg4[%mul3A_2, %dma_start3A_9] : memref<2048x128xf32, #tpu.memory_space<hbm>> -> memref<64x128xf32, #tpu.memory_space<hbm>>
      tpu.enqueue_dma source(%arg6 : memref<64x128xf32, #tpu.memory_space<vmem>>) target(%dma_start3A_10 : memref<64x128xf32, #tpu.memory_space<hbm>>) target_semaphore(%run_scoped3A : memref<!tpu.dma_semaphore, #tpu.memory_space<semaphore_mem>>)
      %dma_wait3A_11 = arith.constant 0 : i32
      %dma_wait3A_12 = tpu.memref_slice %arg4[%mul3A_2, %dma_wait3A_11] : memref<2048x128xf32, #tpu.memory_space<hbm>> -> memref<64x128xf32, #tpu.memory_space<hbm>>
      %dma_wait3A_13 = arith.constant 0 : i32
      %dma_wait3A_14 = tpu.memref_slice %arg4[%mul3A_2, %dma_wait3A_13] : memref<2048x128xf32, #tpu.memory_space<hbm>> -> memref<64x128xf32, #tpu.memory_space<hbm>>
      tpu.wait_dma2 semaphore(%run_scoped3A : memref<!tpu.dma_semaphore, #tpu.memory_space<semaphore_mem>>) src(%arg6 : memref<64x128xf32, #tpu.memory_space<vmem>>) dst(%dma_wait3A_14 : memref<64x128xf32, #tpu.memory_space<hbm>>)
      tpu.yield
    }) : () -> ()
    return
  }
}

module attributes {stable_mosaic.version = 14 : i64} {
  func.func @_tc_body(%arg0: i32, %arg1: memref<200x10000xf32, #tpu.memory_space<vmem>>, %arg2: memref<10000x128xf32, #tpu.memory_space<vmem>>, %arg3: memref<1000x128xf32, #tpu.memory_space<vmem>>, %arg4: memref<200x128xf32, #tpu.memory_space<vmem>>, %arg5: memref<128x128xf32, #tpu.memory_space<vmem>>, %arg6: memref<128x128xf32, #tpu.memory_space<vmem>>, %arg7: memref<1x128xf32, #tpu.memory_space<vmem>>, %arg8: memref<1x128xf32, #tpu.memory_space<vmem>>, %arg9: memref<128x128xf32, #tpu.memory_space<vmem>>, %arg10: memref<1x128xf32, #tpu.memory_space<vmem>>, %arg11: memref<1x128xf32, #tpu.memory_space<vmem>>, %arg12: memref<1x1xf32, #tpu.memory_space<vmem>>, %arg13: memref<200x128xf32, #tpu.memory_space<vmem>>, %arg14: memref<1000x128xf32, #tpu.memory_space<vmem>>, %arg15: memref<10000x128xbf16, #tpu.memory_space<vmem>>, %arg16: memref<10000x128xf32, #tpu.memory_space<vmem>>, %arg17: memref<10000x128xf32, #tpu.memory_space<vmem>>, %arg18: memref<1x10000xf32, #tpu.memory_space<vmem>>, %arg19: memref<10000x1xf32, #tpu.memory_space<vmem>>) attributes {dimension_semantics = [#tpu.dimension_semantics<arbitrary>], iteration_bounds = array<i64: 20>, scalar_prefetch = 0 : i64, scratch_operands = 5 : i64, tpu.core_type = #tpu.core_type<tc>, window_params = [{transform_indices = @transform_0, window_bounds = array<i64: 200, 10000>}, {pipeline_mode = #tpu.pipeline_mode<synchronous>, transform_indices = @transform_1, window_bounds = array<i64: 10000, 128>}, {transform_indices = @transform_2, window_bounds = array<i64: 1000, 128>}, {transform_indices = @transform_3, window_bounds = array<i64: 200, 128>}, {pipeline_mode = #tpu.pipeline_mode<synchronous>, transform_indices = @transform_4, window_bounds = array<i64: 128, 128>}, {pipeline_mode = #tpu.pipeline_mode<synchronous>, transform_indices = @transform_5, window_bounds = array<i64: 128, 128>}, {pipeline_mode = #tpu.pipeline_mode<synchronous>, transform_indices = @transform_6, window_bounds = array<i64: 1, 128>}, {pipeline_mode = #tpu.pipeline_mode<synchronous>, transform_indices = @transform_7, window_bounds = array<i64: 1, 128>}, {pipeline_mode = #tpu.pipeline_mode<synchronous>, transform_indices = @transform_8, window_bounds = array<i64: 128, 128>}, {pipeline_mode = #tpu.pipeline_mode<synchronous>, transform_indices = @transform_9, window_bounds = array<i64: 1, 128>}, {pipeline_mode = #tpu.pipeline_mode<synchronous>, transform_indices = @transform_10, window_bounds = array<i64: 1, 128>}, {pipeline_mode = #tpu.pipeline_mode<synchronous>, transform_indices = @transform_11, window_bounds = array<i64: 1, 1>}, {transform_indices = @transform_12, window_bounds = array<i64: 200, 128>}, {transform_indices = @transform_13, window_bounds = array<i64: 1000, 128>}]} {
    %lt3A = arith.constant 10 : i32
    %lt3A_0 = arith.cmpi slt, %arg0, %lt3A : i32
    %convert_element_type3A = arith.extui %lt3A_0 : i1 to i32
    %cond3A = arith.constant 0 : i32
    %cond3A_1 = arith.cmpi ne, %convert_element_type3A, %cond3A : i32
    scf.if %cond3A_1 {
      %eq3A = arith.constant 0 : i32
      %eq3A_6 = arith.cmpi eq, %arg0, %eq3A : i32
      %convert_element_type3A_7 = arith.extui %eq3A_6 : i1 to i32
      %cond3A_8 = arith.constant 0 : i32
      %cond3A_9 = arith.cmpi ne, %convert_element_type3A_7, %cond3A_8 : i32
      scf.if %cond3A_9 {
        %get3A_84 = arith.constant 0 : index
        %get3A_85 = arith.constant 0 : index
        %get3A_86 = vector.load %arg2[%get3A_84, %get3A_85] : memref<10000x128xf32, #tpu.memory_space<vmem>>, vector<10000x128xf32>
        %convert_element_type3A_87 = arith.truncf %get3A_86 : vector<10000x128xf32> to vector<10000x128xbf16>
        %swap3A_88 = arith.constant 0 : index
        %swap3A_89 = arith.constant 0 : index
        %swap3A_90 = vector.load %arg15[%swap3A_88, %swap3A_89] : memref<10000x128xbf16, #tpu.memory_space<vmem>>, vector<10000x128xbf16>
        tpu.vector_store %arg15[%swap3A_88, %swap3A_89], %convert_element_type3A_87 {strides = array<i32>} : memref<10000x128xbf16, #tpu.memory_space<vmem>>, vector<10000x128xbf16>,
        %get3A_91 = arith.constant 0 : index
        %get3A_92 = arith.constant 0 : index
        %get3A_93 = vector.load %arg5[%get3A_91, %get3A_92] : memref<128x128xf32, #tpu.memory_space<vmem>>, vector<128x128xf32>
        %dot_general3A_94 = arith.constant dense<0.000000e+00> : vector<10000x128xf32>
        %dot_general3A_95 = tpu.matmul %get3A_86, %get3A_93, %dot_general3A_94 {dimension_numbers = #tpu.dot_dimension_numbers<[1], [0], [0], [1], [0, 0, 1, 1], [], []>, transpose_lhs_hint = false} : vector<10000x128xf32>, vector<128x128xf32>, vector<10000x128xf32> -> vector<10000x128xf32>
        %swap3A_96 = arith.constant 0 : index
        %swap3A_97 = arith.constant 0 : index
        %swap3A_98 = vector.load %arg16[%swap3A_96, %swap3A_97] : memref<10000x128xf32, #tpu.memory_space<vmem>>, vector<10000x128xf32>
        tpu.vector_store %arg16[%swap3A_96, %swap3A_97], %dot_general3A_95 {strides = array<i32>} : memref<10000x128xf32, #tpu.memory_space<vmem>>, vector<10000x128xf32>,
        %broadcast_in_dim3A_99 = arith.constant 0.000000e+00 : f32
        %broadcast_in_dim3A_100 = vector.broadcast %broadcast_in_dim3A_99 : f32 to vector<10000x128xf32>
        %swap3A_101 = arith.constant 0 : index
        %swap3A_102 = arith.constant 0 : index
        %swap3A_103 = vector.load %arg17[%swap3A_101, %swap3A_102] : memref<10000x128xf32, #tpu.memory_space<vmem>>, vector<10000x128xf32>
        tpu.vector_store %arg17[%swap3A_101, %swap3A_102], %broadcast_in_dim3A_100 {strides = array<i32>} : memref<10000x128xf32, #tpu.memory_space<vmem>>, vector<10000x128xf32>,
        %broadcast_in_dim3A_104 = arith.constant 0.000000e+00 : f32
        %broadcast_in_dim3A_105 = vector.broadcast %broadcast_in_dim3A_104 : f32 to vector<1x10000xf32>
        %swap3A_106 = arith.constant 0 : index
        %swap3A_107 = arith.constant 0 : index
        %swap3A_108 = vector.load %arg18[%swap3A_106, %swap3A_107] : memref<1x10000xf32, #tpu.memory_space<vmem>>, vector<1x10000xf32>
        tpu.vector_store %arg18[%swap3A_106, %swap3A_107], %broadcast_in_dim3A_105 {strides = array<i32>} : memref<1x10000xf32, #tpu.memory_space<vmem>>, vector<1x10000xf32>,
      } else {
      }
      %get3A = arith.constant 0 : index
      %get3A_10 = arith.constant 0 : index
      %get3A_11 = vector.load %arg1[%get3A, %get3A_10] : memref<200x10000xf32, #tpu.memory_space<vmem>>, vector<200x10000xf32>
      %convert_element_type3A_12 = arith.truncf %get3A_11 : vector<200x10000xf32> to vector<200x10000xbf16>
      %get3A_13 = arith.constant 0 : index
      %get3A_14 = arith.constant 0 : index
      %get3A_15 = vector.load %arg15[%get3A_13, %get3A_14] : memref<10000x128xbf16, #tpu.memory_space<vmem>>, vector<10000x128xbf16>
      %broadcast_in_dim3A = arith.constant 1.000000e+00 : bf16
      %broadcast_in_dim3A_16 = vector.broadcast %broadcast_in_dim3A : bf16 to vector<10000x1xbf16>
      %dot_general3A = arith.constant dense<0.000000e+00> : vector<200x1xf32>
      %dot_general3A_17 = tpu.matmul %convert_element_type3A_12, %broadcast_in_dim3A_16, %dot_general3A {dimension_numbers = #tpu.dot_dimension_numbers<[1], [0], [0], [1], [0, 0, 1, 1], [], []>, transpose_lhs_hint = false} : vector<200x10000xbf16>, vector<10000x1xbf16>, vector<200x1xf32> -> vector<200x1xf32>
      %dot_general3A_18 = arith.constant dense<0.000000e+00> : vector<200x128xf32>
      %dot_general3A_19 = tpu.matmul %convert_element_type3A_12, %get3A_15, %dot_general3A_18 {dimension_numbers = #tpu.dot_dimension_numbers<[1], [0], [0], [1], [0, 0, 1, 1], [], []>, transpose_lhs_hint = false} : vector<200x10000xbf16>, vector<10000x128xbf16>, vector<200x128xf32> -> vector<200x128xf32>
      %add3A = arith.constant 1.000000e-10 : f32
      %add3A_20 = vector.broadcast %add3A : f32 to vector<200x1xf32>
      %add3A_21 = arith.addf %dot_general3A_17, %add3A_20 : vector<200x1xf32>
      %div3A = vector.broadcast %add3A_21 : vector<200x1xf32> to vector<200x128xf32>
      %div3A_22 = arith.divf %dot_general3A_19, %div3A : vector<200x128xf32>
      %get3A_23 = arith.constant 0 : index
      %get3A_24 = arith.constant 0 : index
      %get3A_25 = vector.load %arg4[%get3A_23, %get3A_24] : memref<200x128xf32, #tpu.memory_space<vmem>>, vector<200x128xf32>
      %add3A_26 = arith.addf %div3A_22, %get3A_25 : vector<200x128xf32>
      %get3A_27 = arith.constant 0 : index
      %get3A_28 = arith.constant 0 : index
      %get3A_29 = vector.load %arg6[%get3A_27, %get3A_28] : memref<128x128xf32, #tpu.memory_space<vmem>>, vector<128x128xf32>
      %dot_general3A_30 = arith.constant dense<0.000000e+00> : vector<200x128xf32>
      %dot_general3A_31 = tpu.matmul %add3A_26, %get3A_29, %dot_general3A_30 {dimension_numbers = #tpu.dot_dimension_numbers<[1], [0], [0], [1], [0, 0, 1, 1], [], []>, transpose_lhs_hint = false} : vector<200x128xf32>, vector<128x128xf32>, vector<200x128xf32> -> vector<200x128xf32>
      %get3A_32 = arith.constant 0 : index
      %get3A_33 = arith.constant 0 : index
      %get3A_34 = vector.load %arg16[%get3A_32, %get3A_33] : memref<10000x128xf32, #tpu.memory_space<vmem>>, vector<10000x128xf32>
      %dot_general3A_35 = arith.constant dense<0.000000e+00> : vector<200x10000xf32>
      %dot_general3A_36 = tpu.matmul %dot_general3A_31, %get3A_34, %dot_general3A_35 {dimension_numbers = #tpu.dot_dimension_numbers<[1], [1], [0], [0], [0, 0, 1, 0], [], []>, transpose_lhs_hint = false} : vector<200x128xf32>, vector<10000x128xf32>, vector<200x10000xf32> -> vector<200x10000xf32>
      %exp3A = math.exp %dot_general3A_36 : vector<200x10000xf32>
      %mul3A = arith.mulf %exp3A, %get3A_11 : vector<200x10000xf32>
      %convert_element_type3A_37 = arith.truncf %mul3A : vector<200x10000xf32> to vector<200x10000xbf16>
      %broadcast_in_dim3A_38 = arith.constant 1.000000e+00 : bf16
      %broadcast_in_dim3A_39 = vector.broadcast %broadcast_in_dim3A_38 : bf16 to vector<10000x1xbf16>
      %dot_general3A_40 = arith.constant dense<0.000000e+00> : vector<200x1xf32>
      %dot_general3A_41 = tpu.matmul %convert_element_type3A_37, %broadcast_in_dim3A_39, %dot_general3A_40 {dimension_numbers = #tpu.dot_dimension_numbers<[1], [0], [0], [1], [0, 0, 1, 1], [], []>, transpose_lhs_hint = false} : vector<200x10000xbf16>, vector<10000x1xbf16>, vector<200x1xf32> -> vector<200x1xf32>
      %dot_general3A_42 = arith.constant dense<0.000000e+00> : vector<200x128xf32>
      %dot_general3A_43 = tpu.matmul %convert_element_type3A_37, %get3A_15, %dot_general3A_42 {dimension_numbers = #tpu.dot_dimension_numbers<[1], [0], [0], [1], [0, 0, 1, 1], [], []>, transpose_lhs_hint = false} : vector<200x10000xbf16>, vector<10000x128xbf16>, vector<200x128xf32> -> vector<200x128xf32>
      %div3A_44 = vector.broadcast %dot_general3A_41 : vector<200x1xf32> to vector<200x128xf32>
      %div3A_45 = arith.divf %dot_general3A_43, %div3A_44 : vector<200x128xf32>
      %gt3A = arith.constant 0.000000e+00 : f32
      %gt3A_46 = vector.broadcast %gt3A : f32 to vector<200x128xf32>
      %gt3A_47 = arith.cmpf ogt, %div3A_45, %gt3A_46 : vector<200x128xf32>
      %exp3A_48 = math.exp %div3A_45 : vector<200x128xf32>
      %sub3A = arith.constant 1.000000e+00 : f32
      %sub3A_49 = vector.broadcast %sub3A : f32 to vector<200x128xf32>
      %sub3A_50 = arith.subf %exp3A_48, %sub3A_49 : vector<200x128xf32>
      %select_n3A = arith.select %gt3A_47, %div3A_45, %sub3A_50 : vector<200x128xi1>, vector<200x128xf32>
      %get3A_51 = arith.constant 0 : index
      %get3A_52 = arith.constant 0 : index
      %get3A_53 = vector.load %arg7[%get3A_51, %get3A_52] : memref<1x128xf32, #tpu.memory_space<vmem>>, vector<1x128xf32>
      %mul3A_54 = vector.broadcast %get3A_53 : vector<1x128xf32> to vector<200x128xf32>
      %mul3A_55 = arith.mulf %select_n3A, %mul3A_54 : vector<200x128xf32>
      %get3A_56 = arith.constant 0 : index
      %get3A_57 = arith.constant 0 : index
      %get3A_58 = vector.load %arg8[%get3A_56, %get3A_57] : memref<1x128xf32, #tpu.memory_space<vmem>>, vector<1x128xf32>
      %add3A_59 = vector.broadcast %get3A_58 : vector<1x128xf32> to vector<200x128xf32>
      %add3A_60 = arith.addf %mul3A_55, %add3A_59 : vector<200x128xf32>
      %swap3A = arith.constant 0 : index
      %swap3A_61 = arith.constant 0 : index
      %swap3A_62 = vector.load %arg13[%swap3A, %swap3A_61] : memref<200x128xf32, #tpu.memory_space<vmem>>, vector<200x128xf32>
      tpu.vector_store %arg13[%swap3A, %swap3A_61], %add3A_60 {strides = array<i32>} : memref<200x128xf32, #tpu.memory_space<vmem>>, vector<200x128xf32>,
      %convert_element_type3A_63 = arith.truncf %div3A_45 : vector<200x128xf32> to vector<200x128xbf16>
      %get3A_64 = arith.constant 0 : index
      %get3A_65 = arith.constant 0 : index
      %get3A_66 = vector.load %arg17[%get3A_64, %get3A_65] : memref<10000x128xf32, #tpu.memory_space<vmem>>, vector<10000x128xf32>
      %dot_general3A_67 = arith.constant dense<0.000000e+00> : vector<10000x128xf32>
      %dot_general3A_68 = tpu.matmul %convert_element_type3A_37, %convert_element_type3A_63, %dot_general3A_67 {dimension_numbers = #tpu.dot_dimension_numbers<[0], [0], [1], [1], [0, 1, 1, 1], [], []>, transpose_lhs_hint = false} : vector<200x10000xbf16>, vector<200x128xbf16>, vector<10000x128xf32> -> vector<10000x128xf32>
      %add3A_69 = arith.addf %get3A_66, %dot_general3A_68 : vector<10000x128xf32>
      %swap3A_70 = arith.constant 0 : index
      %swap3A_71 = arith.constant 0 : index
      %swap3A_72 = vector.load %arg17[%swap3A_70, %swap3A_71] : memref<10000x128xf32, #tpu.memory_space<vmem>>, vector<10000x128xf32>
      tpu.vector_store %arg17[%swap3A_70, %swap3A_71], %add3A_69 {strides = array<i32>} : memref<10000x128xf32, #tpu.memory_space<vmem>>, vector<10000x128xf32>,
      %get3A_73 = arith.constant 0 : index
      %get3A_74 = arith.constant 0 : index
      %get3A_75 = vector.load %arg18[%get3A_73, %get3A_74] : memref<1x10000xf32, #tpu.memory_space<vmem>>, vector<1x10000xf32>
      %broadcast_in_dim3A_76 = arith.constant 1.000000e+00 : bf16
      %broadcast_in_dim3A_77 = vector.broadcast %broadcast_in_dim3A_76 : bf16 to vector<200x1xbf16>
      %dot_general3A_78 = arith.constant dense<0.000000e+00> : vector<1x10000xf32>
      %dot_general3A_79 = tpu.matmul %broadcast_in_dim3A_77, %convert_element_type3A_37, %dot_general3A_78 {dimension_numbers = #tpu.dot_dimension_numbers<[0], [0], [1], [1], [0, 1, 1, 1], [], []>, transpose_lhs_hint = false} : vector<200x1xbf16>, vector<200x10000xbf16>, vector<1x10000xf32> -> vector<1x10000xf32>
      %add3A_80 = arith.addf %get3A_75, %dot_general3A_79 : vector<1x10000xf32>
      %swap3A_81 = arith.constant 0 : index
      %swap3A_82 = arith.constant 0 : index
      %swap3A_83 = vector.load %arg18[%swap3A_81, %swap3A_82] : memref<1x10000xf32, #tpu.memory_space<vmem>>, vector<1x10000xf32>
      tpu.vector_store %arg18[%swap3A_81, %swap3A_82], %add3A_80 {strides = array<i32>} : memref<1x10000xf32, #tpu.memory_space<vmem>>, vector<1x10000xf32>,
    } else {
    }
    %ge3A = arith.constant 10 : i32
    %ge3A_2 = arith.cmpi sge, %arg0, %ge3A : i32
    %convert_element_type3A_3 = arith.extui %ge3A_2 : i1 to i32
    %cond3A_4 = arith.constant 0 : i32
    %cond3A_5 = arith.cmpi ne, %convert_element_type3A_3, %cond3A_4 : i32
    scf.if %cond3A_5 {
      %sub3A = arith.constant 10 : i32
      %sub3A_6 = arith.subi %arg0, %sub3A : i32
      %eq3A = arith.constant 10 : i32
      %eq3A_7 = arith.cmpi eq, %arg0, %eq3A : i32
      %convert_element_type3A_8 = arith.extui %eq3A_7 : i1 to i32
      %cond3A_9 = arith.constant 0 : i32
      %cond3A_10 = arith.cmpi ne, %convert_element_type3A_8, %cond3A_9 : i32
      scf.if %cond3A_10 {
        %get3A_95 = arith.constant 0 : index
        %get3A_96 = arith.constant 0 : index
        %get3A_97 = vector.load %arg18[%get3A_95, %get3A_96] : memref<1x10000xf32, #tpu.memory_space<vmem>>, vector<1x10000xf32>
        %transpose3A = tpu.transpose %get3A_97, [1, 0] : vector<1x10000xf32> -> vector<10000x1xf32>
        %swap3A_98 = arith.constant 0 : index
        %swap3A_99 = arith.constant 0 : index
        %swap3A_100 = vector.load %arg19[%swap3A_98, %swap3A_99] : memref<10000x1xf32, #tpu.memory_space<vmem>>, vector<10000x1xf32>
        tpu.vector_store %arg19[%swap3A_98, %swap3A_99], %transpose3A {strides = array<i32>} : memref<10000x1xf32, #tpu.memory_space<vmem>>, vector<10000x1xf32>,
      } else {
      }
      %get3A = arith.constant 0 : index
      %get3A_11 = arith.constant 0 : index
      %get3A_12 = vector.load %arg3[%get3A, %get3A_11] : memref<1000x128xf32, #tpu.memory_space<vmem>>, vector<1000x128xf32>
      %mul3A = arith.constant 1000 : i32
      %mul3A_13 = arith.muli %sub3A_6, %mul3A : i32
      %get3A_14 = arith.index_cast %mul3A_13 : i32 to index
      %get3A_15 = arith.constant 0 : index
      %get3A_16 = vector.load %arg19[%get3A_14, %get3A_15] : memref<10000x1xf32, #tpu.memory_space<vmem>>, vector<1000x1xf32>
      %mul3A_17 = arith.constant 1000 : i32
      %mul3A_18 = arith.muli %sub3A_6, %mul3A_17 : i32
      %get3A_19 = arith.index_cast %mul3A_18 : i32 to index
      %get3A_20 = arith.constant 0 : index
      %get3A_21 = vector.load %arg17[%get3A_19, %get3A_20] : memref<10000x128xf32, #tpu.memory_space<vmem>>, vector<1000x128xf32>
      %div3A = vector.broadcast %get3A_16 : vector<1000x1xf32> to vector<1000x128xf32>
      %div3A_22 = arith.divf %get3A_21, %div3A : vector<1000x128xf32>
      %gt3A = arith.constant 0.000000e+00 : f32
      %gt3A_23 = vector.broadcast %gt3A : f32 to vector<1000x128xf32>
      %gt3A_24 = arith.cmpf ogt, %div3A_22, %gt3A_23 : vector<1000x128xf32>
      %exp3A = math.exp %div3A_22 : vector<1000x128xf32>
      %sub3A_25 = arith.constant 1.000000e+00 : f32
      %sub3A_26 = vector.broadcast %sub3A_25 : f32 to vector<1000x128xf32>
      %sub3A_27 = arith.subf %exp3A, %sub3A_26 : vector<1000x128xf32>
      %select_n3A = arith.select %gt3A_24, %div3A_22, %sub3A_27 : vector<1000x128xi1>, vector<1000x128xf32>
      %get3A_28 = arith.constant 0 : index
      %get3A_29 = arith.constant 0 : index
      %get3A_30 = vector.load %arg7[%get3A_28, %get3A_29] : memref<1x128xf32, #tpu.memory_space<vmem>>, vector<1x128xf32>
      %mul3A_31 = vector.broadcast %get3A_30 : vector<1x128xf32> to vector<1000x128xf32>
      %mul3A_32 = arith.mulf %select_n3A, %mul3A_31 : vector<1000x128xf32>
      %get3A_33 = arith.constant 0 : index
      %get3A_34 = arith.constant 0 : index
      %get3A_35 = vector.load %arg8[%get3A_33, %get3A_34] : memref<1x128xf32, #tpu.memory_space<vmem>>, vector<1x128xf32>
      %add3A = vector.broadcast %get3A_35 : vector<1x128xf32> to vector<1000x128xf32>
      %add3A_36 = arith.addf %mul3A_32, %add3A : vector<1000x128xf32>
      %get3A_37 = arith.constant 0 : index
      %get3A_38 = arith.constant 0 : index
      %get3A_39 = vector.load %arg9[%get3A_37, %get3A_38] : memref<128x128xf32, #tpu.memory_space<vmem>>, vector<128x128xf32>
      %dot_general3A = arith.constant dense<0.000000e+00> : vector<1000x128xf32>
      %dot_general3A_40 = tpu.matmul %get3A_12, %get3A_39, %dot_general3A {dimension_numbers = #tpu.dot_dimension_numbers<[1], [0], [0], [1], [0, 0, 1, 1], [], []>, transpose_lhs_hint = false} : vector<1000x128xf32>, vector<128x128xf32>, vector<1000x128xf32> -> vector<1000x128xf32>
      %get3A_41 = arith.constant 0 : index
      %get3A_42 = arith.constant 0 : index
      %get3A_43 = vector.load %arg10[%get3A_41, %get3A_42] : memref<1x128xf32, #tpu.memory_space<vmem>>, vector<1x128xf32>
      %add3A_44 = vector.broadcast %get3A_43 : vector<1x128xf32> to vector<1000x128xf32>
      %add3A_45 = arith.addf %dot_general3A_40, %add3A_44 : vector<1000x128xf32>
      %tanh3A = math.tanh %add3A_45 : vector<1000x128xf32>
      %get3A_46 = arith.constant 0 : index
      %get3A_47 = arith.constant 0 : index
      %get3A_48 = vector.load %arg11[%get3A_46, %get3A_47] : memref<1x128xf32, #tpu.memory_space<vmem>>, vector<1x128xf32>
      %mul3A_49 = vector.broadcast %get3A_48 : vector<1x128xf32> to vector<1000x128xf32>
      %mul3A_50 = arith.mulf %tanh3A, %mul3A_49 : vector<1000x128xf32>
      %reduce_sum3A = arith.constant dense<0.000000e+00> : vector<1000xf32>
      %reduce_sum3A_51 = vector.multi_reduction <add>, %mul3A_50, %reduce_sum3A [1] : vector<1000x128xf32> to vector<1000xf32>
      %broadcast_in_dim3A = vector.shape_cast %reduce_sum3A_51 : vector<1000xf32> to vector<1000x1xf32>
      %get3A_52 = arith.constant 0 : index
      %get3A_53 = arith.constant 0 : index
      %get3A_54 = vector.load %arg12[%get3A_52, %get3A_53] : memref<1x1xf32, #tpu.memory_space<vmem>>, vector<1x1xf32>
      %add3A_55 = vector.broadcast %get3A_54 : vector<1x1xf32> to vector<1000x1xf32>
      %add3A_56 = arith.addf %broadcast_in_dim3A, %add3A_55 : vector<1000x1xf32>
      %get3A_57 = arith.constant 0 : index
      %get3A_58 = arith.constant 0 : index
      %get3A_59 = vector.load %arg9[%get3A_57, %get3A_58] : memref<128x128xf32, #tpu.memory_space<vmem>>, vector<128x128xf32>
      %dot_general3A_60 = arith.constant dense<0.000000e+00> : vector<1000x128xf32>
      %dot_general3A_61 = tpu.matmul %add3A_36, %get3A_59, %dot_general3A_60 {dimension_numbers = #tpu.dot_dimension_numbers<[1], [0], [0], [1], [0, 0, 1, 1], [], []>, transpose_lhs_hint = false} : vector<1000x128xf32>, vector<128x128xf32>, vector<1000x128xf32> -> vector<1000x128xf32>
      %get3A_62 = arith.constant 0 : index
      %get3A_63 = arith.constant 0 : index
      %get3A_64 = vector.load %arg10[%get3A_62, %get3A_63] : memref<1x128xf32, #tpu.memory_space<vmem>>, vector<1x128xf32>
      %add3A_65 = vector.broadcast %get3A_64 : vector<1x128xf32> to vector<1000x128xf32>
      %add3A_66 = arith.addf %dot_general3A_61, %add3A_65 : vector<1000x128xf32>
      %tanh3A_67 = math.tanh %add3A_66 : vector<1000x128xf32>
      %get3A_68 = arith.constant 0 : index
      %get3A_69 = arith.constant 0 : index
      %get3A_70 = vector.load %arg11[%get3A_68, %get3A_69] : memref<1x128xf32, #tpu.memory_space<vmem>>, vector<1x128xf32>
      %mul3A_71 = vector.broadcast %get3A_70 : vector<1x128xf32> to vector<1000x128xf32>
      %mul3A_72 = arith.mulf %tanh3A_67, %mul3A_71 : vector<1000x128xf32>
      %reduce_sum3A_73 = arith.constant dense<0.000000e+00> : vector<1000xf32>
      %reduce_sum3A_74 = vector.multi_reduction <add>, %mul3A_72, %reduce_sum3A_73 [1] : vector<1000x128xf32> to vector<1000xf32>
      %broadcast_in_dim3A_75 = vector.shape_cast %reduce_sum3A_74 : vector<1000xf32> to vector<1000x1xf32>
      %get3A_76 = arith.constant 0 : index
      %get3A_77 = arith.constant 0 : index
      %get3A_78 = vector.load %arg12[%get3A_76, %get3A_77] : memref<1x1xf32, #tpu.memory_space<vmem>>, vector<1x1xf32>
      %add3A_79 = vector.broadcast %get3A_78 : vector<1x1xf32> to vector<1000x1xf32>
      %add3A_80 = arith.addf %broadcast_in_dim3A_75, %add3A_79 : vector<1000x1xf32>
      %max3A = arith.maximumf %add3A_56, %add3A_80 : vector<1000x1xf32>
      %sub3A_81 = arith.subf %add3A_56, %max3A : vector<1000x1xf32>
      %exp3A_82 = math.exp %sub3A_81 : vector<1000x1xf32>
      %sub3A_83 = arith.subf %add3A_80, %max3A : vector<1000x1xf32>
      %exp3A_84 = math.exp %sub3A_83 : vector<1000x1xf32>
      %mul3A_85 = vector.broadcast %exp3A_82 : vector<1000x1xf32> to vector<1000x128xf32>
      %mul3A_86 = arith.mulf %mul3A_85, %get3A_12 : vector<1000x128xf32>
      %mul3A_87 = vector.broadcast %exp3A_84 : vector<1000x1xf32> to vector<1000x128xf32>
      %mul3A_88 = arith.mulf %mul3A_87, %add3A_36 : vector<1000x128xf32>
      %add3A_89 = arith.addf %mul3A_86, %mul3A_88 : vector<1000x128xf32>
      %add3A_90 = arith.addf %exp3A_82, %exp3A_84 : vector<1000x1xf32>
      %div3A_91 = vector.broadcast %add3A_90 : vector<1000x1xf32> to vector<1000x128xf32>
      %div3A_92 = arith.divf %add3A_89, %div3A_91 : vector<1000x128xf32>
      %swap3A = arith.constant 0 : index
      %swap3A_93 = arith.constant 0 : index
      %swap3A_94 = vector.load %arg14[%swap3A, %swap3A_93] : memref<1000x128xf32, #tpu.memory_space<vmem>>, vector<1000x128xf32>
      tpu.vector_store %arg14[%swap3A, %swap3A_93], %div3A_92 {strides = array<i32>} : memref<1000x128xf32, #tpu.memory_space<vmem>>, vector<1000x128xf32>,
    } else {
    }
    return
  }
  func.func @transform_0(%arg0: i32) -> (i32, i32) {
    %min3A = arith.constant 9 : i32
    %min3A_0 = arith.minsi %arg0, %min3A : i32
    %c0_i32 = arith.constant 0 : i32
    %c0_i32_1 = arith.constant 0 : i32
    return %min3A_0, %c0_i32 : i32, i32
  }
  func.func @transform_1(%arg0: i32) -> (i32, i32) {
    %c0_i32 = arith.constant 0 : i32
    %c0_i32_0 = arith.constant 0 : i32
    %c0_i32_1 = arith.constant 0 : i32
    return %c0_i32, %c0_i32_0 : i32, i32
  }
  func.func @transform_2(%arg0: i32) -> (i32, i32) {
    %sub3A = arith.constant 10 : i32
    %sub3A_0 = arith.subi %arg0, %sub3A : i32
    %max3A = arith.constant 0 : i32
    %max3A_1 = arith.maxsi %sub3A_0, %max3A : i32
    %c0_i32 = arith.constant 0 : i32
    %c0_i32_2 = arith.constant 0 : i32
    return %max3A_1, %c0_i32 : i32, i32
  }
  func.func @transform_3(%arg0: i32) -> (i32, i32) {
    %min3A = arith.constant 9 : i32
    %min3A_0 = arith.minsi %arg0, %min3A : i32
    %c0_i32 = arith.constant 0 : i32
    %c0_i32_1 = arith.constant 0 : i32
    return %min3A_0, %c0_i32 : i32, i32
  }
  func.func @transform_4(%arg0: i32) -> (i32, i32) {
    %c0_i32 = arith.constant 0 : i32
    %c0_i32_0 = arith.constant 0 : i32
    %c0_i32_1 = arith.constant 0 : i32
    return %c0_i32, %c0_i32_0 : i32, i32
  }
  func.func @transform_5(%arg0: i32) -> (i32, i32) {
    %c0_i32 = arith.constant 0 : i32
    %c0_i32_0 = arith.constant 0 : i32
    %c0_i32_1 = arith.constant 0 : i32
    return %c0_i32, %c0_i32_0 : i32, i32
  }
  func.func @transform_6(%arg0: i32) -> (i32, i32) {
    %c0_i32 = arith.constant 0 : i32
    %c0_i32_0 = arith.constant 0 : i32
    %c0_i32_1 = arith.constant 0 : i32
    return %c0_i32, %c0_i32_0 : i32, i32
  }
  func.func @transform_7(%arg0: i32) -> (i32, i32) {
    %c0_i32 = arith.constant 0 : i32
    %c0_i32_0 = arith.constant 0 : i32
    %c0_i32_1 = arith.constant 0 : i32
    return %c0_i32, %c0_i32_0 : i32, i32
  }
  func.func @transform_8(%arg0: i32) -> (i32, i32) {
    %c0_i32 = arith.constant 0 : i32
    %c0_i32_0 = arith.constant 0 : i32
    %c0_i32_1 = arith.constant 0 : i32
    return %c0_i32, %c0_i32_0 : i32, i32
  }
  func.func @transform_9(%arg0: i32) -> (i32, i32) {
    %c0_i32 = arith.constant 0 : i32
    %c0_i32_0 = arith.constant 0 : i32
    %c0_i32_1 = arith.constant 0 : i32
    return %c0_i32, %c0_i32_0 : i32, i32
  }
  func.func @transform_10(%arg0: i32) -> (i32, i32) {
    %c0_i32 = arith.constant 0 : i32
    %c0_i32_0 = arith.constant 0 : i32
    %c0_i32_1 = arith.constant 0 : i32
    return %c0_i32, %c0_i32_0 : i32, i32
  }
  func.func @transform_11(%arg0: i32) -> (i32, i32) {
    %c0_i32 = arith.constant 0 : i32
    %c0_i32_0 = arith.constant 0 : i32
    %c0_i32_1 = arith.constant 0 : i32
    return %c0_i32, %c0_i32_0 : i32, i32
  }
  func.func @transform_12(%arg0: i32) -> (i32, i32) {
    %min3A = arith.constant 9 : i32
    %min3A_0 = arith.minsi %arg0, %min3A : i32
    %c0_i32 = arith.constant 0 : i32
    %c0_i32_1 = arith.constant 0 : i32
    return %min3A_0, %c0_i32 : i32, i32
  }
  func.func @transform_13(%arg0: i32) -> (i32, i32) {
    %sub3A = arith.constant 10 : i32
    %sub3A_0 = arith.subi %arg0, %sub3A : i32
    %max3A = arith.constant 0 : i32
    %max3A_1 = arith.maxsi %sub3A_0, %max3A : i32
    %c0_i32 = arith.constant 0 : i32
    %c0_i32_2 = arith.constant 0 : i32
    return %max3A_1, %c0_i32 : i32, i32
  }
}

</mosaic_0001>

<sc_bundles>
// kernel: kernel.4.cloned.1.call-start
scs
__scs_entry_jumppad:
0x0: {  	(pc) =	sbr.rel $0x88, $3  }
0x1: {  	(tag) =	ssettag $0x0;
	lr =	simm.s32 $0x1  }
0x2: {  	[smem:$0x3F94] =	sst lr;
	_ =	strace $0xD0000000  }
0x3: {  	_ = 	snop  }
0x4: {  	_ = 	snop  }
0x5: {  	_ = 	snop  }
0x6: {  	_ = 	snop  }
0x7: {  	_ = 	snop  }
__scs_overlays_trampoline_lowered:
0x8: {  	[smem:$0x3FA3] =	sst s0  }
0x9: {  	[smem:$0x3FA4] =	sst s1  }
0xa: {  	[smem:$0x3FA5] =	sst s2  }
0xb: {  	[smem:$0x3FA6] =	sst s3  }
0xc: {  	[smem:$0x3FA7] =	sst s4  }
0xd: {  	[smem:$0x3FA8] =	sst s5  }
0xe: {  	[smem:$0x3FA9] =	sst s6  }
0xf: {  	[smem:$0x3FAA] =	sst s7  }
0x10: {  	[smem:$0x3FAB] =	sst s8  }
0x11: {  	[smem:$0x3FAC] =	sst s9;
	s0 =	simm.s32 @!p0 $0x0  }
0x12: {  	s1 =	sld [smem:$0x3F92];
	s0 =	simm.s32 @p0 $0x1  }
0x13: {  	[smem:$0x3FAD] =	sst s0;
	s0 =	simm.s32 @!p1 $0x0  }
0x14: {  	s2 =	sld [smem:$0x3F91];
	s0 =	simm.s32 @p1 $0x1  }
0x15: {  	[smem:$0x3FAE] =	sst s0;
	s0 =	simm.s32 @!p2 $0x0  }
0x16: {  	s3 =	sld [smem:$0x3FDB];
	s0 =	simm.s32 @p2 $0x1  }
0x17: {  	s4 =	simm.s32 $0x1BF5;
	[smem:$0x3FB0] =	sst s0  }
0x18: {  	s0 =	sld [smem:$0x3F93];
	_ =	swait.ge [sflag:s4], $0x0  }
0x19: {  	s7 =	sld [smem:$0x3F94]  }
0x1a: {  	s8 =	sadd.s32 $0xFFFFE003, lr  }
0x1b: {  	s9 =	sadd.s32 $0xFFFFFEF7, lr;
	s5 =	simm.s32 $0xFFFFFFFF;
	p2 =	slt.u32 s8, $0xFFFFF086  }
0x1c: {  	p1 =	slt.u32 s9, $0xF7A;
	s5 =	simm.s32 @!p2 $0x0  }
0x1d: {  	s5 =	simm.s32 @p1 $0x1;
	p0 =	seq.s32 s7, s2  }
0x1e: {  	s7 =	smul.u32 @!p0 $0xF7A, s2;
	p2 =	seq.s32 @!p0 s5, $0x0  }
0x1f: {  	s9 =	smul.u32 $0xF7A, s1;
	s8 =	simm.s32 @!p0 $0x1BF5;
	p2 =	por !p2, p0  }
0x20: {  	[sflag:s8] =	ssyncset.s32 @!p0 $0xFFFFF086;
	s6 =	sadd.s32 @!p0 s3, s7;
	s7 =	simm.s32 @!p0 $0x108  }
0x21: {  	s3 =	sadd.s32 s3, s9;
	s6 =	sadd.s32 @!p0 $0x88, s6;
	s7 =	simm.s32 @p2 $0x1082  }
0x22: {  	[simem:s7], [sflag:s8] =	dma.local @!p0 [hbm:s6], $0xF7A  }
0x23: {  	s9 =	sor.u32 $0xD0000000, s2;
	s6 =	simm.s32 $0x108;
	_ =	swait.ge @!p0 [sflag:s8], $0x0  }
0x24: {  	s3 =	sadd.s32 $0x88, s3;
	s6 =	simm.s32 @!p1 $0x1082;
	[sflag:s4] =	ssyncset.s32 $0xFFFFF086  }
0x25: {  	[simem:s6], [sflag:s4] =	dma.local [hbm:s3], $0xF7A  }
0x26: {  	[smem:$0x3F94] =	sst s1;
	(tag) =	ssettag s2;
	_ =	strace s9  }
0x27: {  	s1 =	sld [smem:$0x3FA4]  }
0x28: {  	s2 =	sld [smem:$0x3FA5]  }
0x29: {  	s4 =	sld [smem:$0x3FA7]  }
0x2a: {  	p0 =	seq.s32 s5, $0x0;
	s5 =	sld [smem:$0x3FA8]  }
0x2b: {  	s6 =	sld [smem:$0x3FA9]  }
0x2c: {  	s7 =	sld [smem:$0x3FAA]  }
0x2d: {  	s3 =	simm.s32 $0x108;
	s8 =	sld [smem:$0x3FAB]  }
0x2e: {  	s3 =	simm.s32 @!p0 $0x1082;
	s9 =	sld [smem:$0x3FAC]  }
0x2f: {  	lr =	sadd.s32 s0, s3;
	s0 =	sld [smem:$0x3FA3]  }
0x30: {  	s3 =	sld [smem:$0x3FA6]  }
0x31: {  	[smem:$0x3FAF] =	sst s10  }
0x32: {  	s10 =	sld [smem:$0x3FAD];
	_ =	sdelay $0x3  }
0x33: {  	p0 =	seq.s32 s10, $0x1;
	s10 =	sld [smem:$0x3FAF];
	_ =	sdelay $0x3  }
0x34: {  	[smem:$0x3FAF] =	sst s10  }
0x35: {  	s10 =	sld [smem:$0x3FAE];
	_ =	sdelay $0x3  }
0x36: {  	p1 =	seq.s32 s10, $0x1;
	s10 =	sld [smem:$0x3FAF];
	_ =	sdelay $0x3  }
0x37: {  	[smem:$0x3FAF] =	sst s10  }
0x38: {  	s10 =	sld [smem:$0x3FB0]  }
0x39: {  	_ = 	snop;
	(pc) =	sbr.ind lr, $3  }
0x3a: {  	_ = 	snop  }
0x3b: {  	_ = 	snop  }
0x3c: {  	p2 =	seq.s32 s10, $0x1;
	s10 =	sld [smem:$0x3FAF]  }
0x3d: {  	_ =	shalt  }
0x3e: {  	_ =	shalt  }
0x3f: {  	_ =	shalt  }
0x40: {  	_ =	shalt  }
0x41: {  	_ =	shalt  }
0x42: {  	_ =	shalt  }
0x43: {  	_ =	shalt  }
0x44: {  	_ =	shalt  }
0x45: {  	_ =	shalt  }
0x46: {  	_ =	shalt  }
0x47: {  	_ =	shalt  }
0x48: {  	_ =	shalt  }
0x49: {  	_ =	shalt  }
0x4a: {  	_ =	shalt  }
0x4b: {  	_ =	shalt  }
0x4c: {  	_ =	shalt  }
0x4d: {  	_ =	shalt  }
0x4e: {  	_ =	shalt  }
0x4f: {  	_ =	shalt  }
0x50: {  	_ =	shalt  }
0x51: {  	_ =	shalt  }
0x52: {  	_ =	shalt  }
0x53: {  	_ =	shalt  }
0x54: {  	_ =	shalt  }
0x55: {  	_ =	shalt  }
0x56: {  	_ =	shalt  }
0x57: {  	_ =	shalt  }
0x58: {  	_ =	shalt  }
0x59: {  	_ =	shalt  }
0x5a: {  	_ =	shalt  }
0x5b: {  	_ =	shalt  }
0x5c: {  	_ =	shalt  }
0x5d: {  	_ =	shalt  }
0x5e: {  	_ =	shalt  }
0x5f: {  	_ =	shalt  }
0x60: {  	_ =	shalt  }
0x61: {  	_ =	shalt  }
0x62: {  	_ =	shalt  }
0x63: {  	_ =	shalt  }
0x64: {  	_ =	shalt  }
0x65: {  	_ =	shalt  }
0x66: {  	_ =	shalt  }
0x67: {  	_ =	shalt  }
0x68: {  	_ =	shalt  }
0x69: {  	_ =	shalt  }
0x6a: {  	_ =	shalt  }
0x6b: {  	_ =	shalt  }
0x6c: {  	_ =	shalt  }
0x6d: {  	_ =	shalt  }
0x6e: {  	_ =	shalt  }
0x6f: {  	_ =	shalt  }
0x70: {  	_ =	shalt  }
0x71: {  	_ =	shalt  }
0x72: {  	_ =	shalt  }
0x73: {  	_ =	shalt  }
0x74: {  	_ =	shalt  }
0x75: {  	_ =	shalt  }
0x76: {  	_ =	shalt  }
0x77: {  	_ =	shalt  }
0x78: {  	_ =	shalt  }
0x79: {  	_ =	shalt  }
0x7a: {  	_ =	shalt  }
0x7b: {  	_ =	shalt  }
0x7c: {  	_ =	shalt  }
0x7d: {  	_ =	shalt  }
0x7e: {  	_ =	shalt  }
0x7f: {  	_ =	shalt  }
0x80: {  	_ =	shalt  }
0x81: {  	_ =	shalt  }
0x82: {  	_ =	shalt  }
0x83: {  	_ =	shalt  }
0x84: {  	_ =	shalt  }
0x85: {  	_ =	shalt  }
0x86: {  	_ =	shalt  }
0x87: {  	_ =	shalt  }
.Lfunc_end0:
.L_simem_size_0:
called_computation_lowered:
.L_overlay_start_0:
0x88: {  	s2 =	sld [smem:$0x3FD9]  }
0x89: {  	s3 =	sld [smem:$0x3FFE];
	_ =	sdelay $0x1  }
0x8a: {  	s1 =	srdreg.scid  }
0x8b: {  	s0 =	sand.u32 $0x1, s1  }
0x8c: {  	s14 =	sshll.u32 s0, $0xA;
	s2 =	sadd.s32 s3, s2  }
0x8d: {  	s2 =	sadd.s32 s2, s14  }
0x8e: {  	[smem:$0x3FBB] =	sst s2  }
0x8f: {  	_ = 	snop  }
0x90: {  	s2 =	sld [smem:$0x3FD0];
	_ =	sdelay $0x2  }
0x91: {  	s4 =	simm.s32 $0xA;
	s5 =	simm.s32 $0x10;
	s15 =	sld [smem:$0x3FC9]  }
0x92: {  	[smem:s5], [sflag:s4] =	dma.local [hbm:s2], $0x1  }
0x93: {  	_ =	swait.eq [sflag:s4], $0x1  }
0x94: {  	[sflag:s4] =	ssyncset.done $0x0  }
0x95: {  	[sflag:s4] =	ssyncadd.s32 $0xFFFFFFFF  }
0x96: {  	s16 =	sld [smem:$0x11];
	(tm) =	ssettm $0x1  }
0x97: {  	s17 =	sld [smem:$0x3FFB];
	_ =	sdelay $0x3  }
0x98: {  	_ =	strace s17  }
0x99: {  	s4 =	sld [smem:$0x3FFC];
	_ =	sdelay $0x3  }
0x9a: {  	_ =	strace s4  }
0x9b: {  	s4 =	sld [smem:$0x3FFD];
	_ =	sdelay $0x3  }
0x9c: {  	_ =	strace s4  }
0x9d: {  	_ =	strace $0x8FFFFFFF  }
0x9e: {  	s18 =	sld [smem:$0x3FDB];
	_ =	sdelay $0x1  }
0x9f: {  	s19 =	simm.s32 $_scs_section_size  }
0xa0: {  	s6 =	simm.s32 $_size__tile_overlayer_lowered;
	s7 =	simm.s32 $_tile_overlayer_lowered  }
0xa1: {  	s22 =	simm.s32 $0x1BFF;
	s21 =	sshll.u32 s7, $0x1;
	s4 =	sadd.s32 s19, s18  }
0xa2: {  	s8 =	simm.s32 $0x0;
	s20 =	sshll.u32 s6, $0x1;
	s6 =	sadd.s32 s21, s4  }
0xa3: {  	[timem:s8], [sflag:s22] =	dma.local [hbm:s6], s20  }
0xa4: {  	_ =	swait.ge [sflag:s22], s20  }
0xa5: {  	s5 =	ssub.s32 $0x0, s20;
	[sflag:s22] =	ssyncset.done $0x0  }
0xa6: {  	[sflag:s22] =	ssyncadd.s32 s5;
	_ =	sdelay $0x1  }
0xa7: {  	s23 =	simm.s32 $0x1B8B  }
0xa8: {  	_ =	swait.ge [sflag:s23], $0x1  }
0xa9: {  	[sflag:s23] =	ssyncset.done $0x0  }
0xaa: {  	s25 =	simm.s32 $0x1B8E;
	s24 =	sld [smem:$0x3FFE];
	[sflag:s23] =	ssyncadd.s32 $0xFFFFFFFF  }
0xab: {  	s26 =	simm.s32 $execute0_lowered;
	[smem:$0x3FD2] =	sst s25  }
0xac: {  	s6 =	sshll.u32 s26, $0x1;
	_ =	strace $0x80000046;
	[dreg:$0x1] =	wrdreg $0xFFFFFFFF  }
0xad: {  	s28 =	simm.s32 $_size_execute0_lowered;
	s4 =	sadd.s32 s4, s6;
	[dreg:$0x0] =	wrdreg $0x0  }
0xae: {  	s6 =	sshll.u32 s28, $0x1;
	[dreg:$0x2] =	wrdreg s4  }
0xaf: {  	[dreg:$0x3] =	wrdreg s6  }
0xb0: {  	[dreg:$0x4] =	wrdreg $0xC0  }
0xb1: {  	_ =	task [dreg:s8], $0x5FFFF  }
0xb2: {  	[dreg:$0x1] =	wrdreg $0xFFFFFFFF  }
0xb3: {  	[dreg:$0x0] =	wrdreg $0x60  }
0xb4: {  	[dreg:$0x2] =	wrdreg s15  }
0xb5: {  	[dreg:$0x3] =	wrdreg s16  }
0xb6: {  	[dreg:$0x4] =	wrdreg s24  }
0xb7: {  	[dreg:$0x5] =	wrdreg $0x9  }
0xb8: {  	_ =	task.clear_ibuf [dreg:s8], $0x6FFFF;
	_ =	strace $0x90000046  }
0xb9: {  	s29 =	simm.s32 $0x9;
	_ =	strace $0x80000048  }
0xba: {  	_ =	swait.ge [sflag:s29], $0x1  }
0xbb: {  	[sflag:s29] =	ssyncadd.s32 $0xFFFFFFFF  }
0xbc: {  	_ =	strace $0x90000048  }
0xbd: {  	_ =	sfence  }
0xbe: {  	s30 =	sld [smem:$0x0];
	_ =	sdelay $0x2  }
0xbf: {  	s31 =	sshll.u32 s1, $0xD;
	s1 =	sshrl.u32 s1, $0x2  }
0xc0: {  	s3 =	sand.u32 $0x4000, s31;
	s1 =	sadd.s32 s1, s30  }
0xc1: {  	s0 =	sor.u32 s3, s0;
	s1 =	sshll.u32 s1, $0x11  }
0xc2: {  	s0 =	sor.u32 s1, s0  }
0xc3: {  	s0 =	sadd.s32 $0x8F2B, s0  }
0xc4: {  	[sflag:s0] =	ssyncadd.remote.s32 $0x1  }
0xc5: {  	_ =	sfence.sel $0xFFFF  }
0xc6: {  	[dreg:$0x0] =	wrdreg $0xFFFFFFFF;
	(pc) =	sbr.abs _section_cstart, $3  }
0xc7: {  	[dreg:$0x1] =	wrdreg $0xFFFFFFFF  }
0xc8: {  	_ =	task.clear_ibuf [dreg:s8], $0x2FFFF;
	_ =	strace $0x9FFFFFFF  }
0xc9: {  	(tm) =	ssettm $0x7FFFFFFF  }
tec
execute0_lowered:
.L_overlay_start_1:
0x0: {  	(tag) =	ssettag $0x1  }
0x1: {  	s1 =	rddreg [dreg:$0x0];
	s2 =	srdreg.scid  }
0x2: {  	s4 =	rddreg [dreg:$0x1];
	s0 =	stileid.u32  }
0x3: {  	s9 =	rddreg [dreg:$0x2];
	s3 =	simm.s32 $0x0;
	s6 =	sand.u32 $0x1, s2  }
0x4: {  	s5 =	sshll.u32 s0, $0x7;
	s2 =	rddreg [dreg:$0x3];
	s7 =	sshll.u32 s6, $0x6  }
0x5: {  	s8 =	simm.s32 $0x1;
	[smem:$0x7FF] =	sst s3;
	s10 =	sor.u32 s7, s5  }
0x6: {  	_ =	strace $0x80000047;
	s11 =	ssub.s32 $0x2, s6;
	s5 =	sshrl.u32 s10, $0x3  }
0x7: {  	s6 =	simm.s32 $0x40;
	s5 =	sadd.s32 s4, s5;
	s4 =	simm.s32 $0x2  }
0x8: {  	[tilespmem:s3], [sflag:$0x2] =	stream.linear.gather [hbm4b:s5+s3], $0x40, $0x38;
	[tilespmem:$0x2080] =	vst v63  }
0x9: {  	s7 =	simm.s32 $0x80;
	s12 =	sshrl.u32 s11, $0x1;
	_ =	swait.ge [sflag:s4], $0x40  }
0xa: {  	s10 =	sshll.u32 s10, $0x4;
	s31 =	ssub.s32 s11, s12;
	[sflag:s4] =	ssyncset.done $0x0  }
0xb: {  	s9 =	sadd.s32 s10, s9;
	s10 =	smax.u32 s31, $0x1;
	[sflag:s4] =	ssyncadd.s32 $0xFFFFFFC0  }
0xc: {  	[tilespmem:s7], [sflag:$0x1] =	stream.indirect.gather [hbm4b:s1+s6], $0x80, s3, s6, $0xb8;
	[tilespmem:$0x2080] =	vst v63  }
0xd: {  	p0 =	sne.s32 s10, $0x1;
	_ =	swait.ge [sflag:s8], $0x2000  }
.Ltmp0:
0xe: {  	[sflag:s8] =	ssyncset.done $0x0;
	(pc) =	sbr.rel @!p0 .LBB2_2-.Ltmp0, $4  }
0xf: {  	s9 =	sadd.s32 $0x1000, s9;
	[sflag:s8] =	ssyncadd.s32 $0xFFFFE000  }
0x10: {  	[hbm4b:s9+s3] =	stream.linear.scatter [tilespmem:s7], [sflag:$0x2], $0x2000, $0x38;
	[tilespmem:$0x2080] =	vst v63  }
0x11: {  	_ =	swait.ge [sflag:s4], $0x2000  }
0x12: {  	s10 =	sadd.s32 $0xFFFFFFFF, s10;
	[sflag:s4] =	ssyncset.done $0x0  }
.LBB2_1:
0x13: {  	p0 =	sne.s32 s10, $0x1;
	s10 =	sadd.s32 $0xFFFFFFFF, s10;
	[sflag:s4] =	ssyncadd.s32 $0xFFFFE000  }
0x14: {  	[tilespmem:s3], [sflag:$0x2] =	stream.linear.gather [hbm4b:s5+s3], $0x40, $0x38;
	[tilespmem:$0x2080] =	vst v63  }
0x15: {  	_ =	swait.ge [sflag:s4], $0x40  }
0x16: {  	[sflag:s4] =	ssyncset.done $0x0  }
0x17: {  	[sflag:s4] =	ssyncadd.s32 $0xFFFFFFC0  }
0x18: {  	[tilespmem:s7], [sflag:$0x1] =	stream.indirect.gather [hbm4b:s1+s6], $0x80, s3, s6, $0xb8;
	[tilespmem:$0x2080] =	vst v63  }
0x19: {  	_ =	swait.ge [sflag:s8], $0x2000  }
.Ltmp1:
0x1a: {  	[sflag:s8] =	ssyncset.done $0x0;
	(pc) =	sbr.rel @p0 .LBB2_1-.Ltmp1, $4  }
0x1b: {  	[sflag:s8] =	ssyncadd.s32 $0xFFFFE000  }
0x1c: {  	[hbm4b:s9+s3] =	stream.linear.scatter [tilespmem:s7], [sflag:$0x2], $0x2000, $0x38;
	[tilespmem:$0x2080] =	vst v63  }
0x1d: {  	_ =	swait.ge [sflag:s4], $0x2000  }
0x1e: {  	[sflag:s4] =	ssyncset.done $0x0  }
.LBB2_2:
0x1f: {  	[sflag:s4] =	ssyncadd.s32 $0xFFFFE000  }
0x20: {  	_ =	sfence.sel $0x180000  }
0x21: {  	[bflag:$0x0] =	sbarrier.arrive $0xFFFF  }
0x22: {  	p0 =	sne.s32 s0, $0x0;
	_ =	strace $0x90000047  }
0x23: {  	s0 =	sadd.s32 @!p0 $0x100000, s2;
	[bflag:$0x2] =	sbarrier.arrive $0xFFFF  }
0x24: {  	[sflag:s0] =	ssyncadd.tile.s32 @!p0 $0x1;
	_ =	shalt  }
.Lfunc_end2:
_tile_overlayer_lowered:
.L_overlay_start_2:
0x25: {  	(tag) =	ssettag $0x2  }
0x26: {  	s0 =	rddreg [dreg:$0x0];
	s2 =	stileid.u32  }
0x27: {  	s1 =	rddreg [dreg:$0x1];
	p0 =	sne.s32 s2, $0x0  }
0x28: {  	s3 =	rddreg [dreg:$0x2];
	[bflag:$0x3] =	sbarrier.arrive $0xFFFF;
	s2 =	simm.s32 @!p0 $0x1C02  }
0x29: {  	[timem:s3], [sflag:s2] =	dma.local @!p0 [hbm:s0], s1  }
0x2a: {  	s0 =	simm.s32 @!p0 $0x2  }
0x2b: {  	_ =	swait.ge @!p0 [sflag:s0], s1  }
0x2c: {  	s1 =	ssub.s32 @!p0 $0x0, s1;
	[sflag:s0] =	ssyncset.done @!p0 $0x0  }
0x2d: {  	[sflag:s0] =	ssyncadd.s32 @!p0 s1  }
0x2e: {  	[bflag:$0x3] =	sbarrier.arrive $0xFFFF  }
0x2f: {  	_ =	shalt  }

</sc_bundles>
